<compile_context>
chip_gen: v7x
topology: tpu7x:2x2x1
jax: 0.10.2.dev20260603
libtpu: 0.0.44.dev20260713+nightly
codegen_flags: <defaults>
</compile_context>

<pallas_src>
import functools

import jax
import jax.numpy as jnp
from jax import lax
from jax.experimental import pallas as pl
from jax.experimental.pallas import tpu as pltpu
from jax.experimental.pallas import tpu_sc as plsc

E = 8
D = 2048
TOKENS = 8192

_BM = 512
_NM = TOKENS // _BM


def _top2(sp):
    iota = lax.broadcasted_iota(jnp.int32, (1, E), 1)
    m1 = jnp.max(sp)
    i1 = jnp.min(jnp.where(sp == m1, iota, E))
    sp2 = jnp.where(iota == i1, -jnp.inf, sp)
    m2 = jnp.max(sp2)
    i2 = jnp.min(jnp.where(sp2 == m2, iota, E))
    e2 = jnp.exp(m2 - m1)
    denom = 1.0 + e2
    p0 = 1.0 / denom
    p1 = e2 / denom
    return i1, i2, p0, p1


_SCW = 16
_PAD = -3.0e38


def _sc_gating_body(sp_hbm, idx_hbm, scores_hbm, sp_v, idx_v, sc_v, srt_v):

    @pl.when((lax.axis_index("c") == 0) & (lax.axis_index("s") == 0))
    def _():
        pltpu.sync_copy(sp_hbm, sp_v)
        sp = sp_v[...]
        iota = lax.iota(jnp.int32, _SCW)
        skeys, _ = plsc.sort_key_val(sp, iota, descending=False)
        srt_v[...] = skeys
        zeros = jnp.zeros((_SCW,), jnp.int32)
        m1 = plsc.load_gather(srt_v, [zeros + (_SCW - 1)])
        m2 = plsc.load_gather(srt_v, [zeros + (_SCW - 2)])
        i1 = plsc.all_reduce_ffs(sp == m1)
        sp2 = jnp.where(iota == i1, _PAD, sp)
        i2 = plsc.all_reduce_ffs(sp2 == m2)
        sel = (iota == i1) | (iota == i2)
        num = jnp.where(sel, jnp.exp(sp - m1), 0.0)
        den = 1.0 + jnp.exp(m2 - m1)
        sc_v[...] = num / den
        idx_v[...] = jnp.where(iota == 0, i1, jnp.where(iota == 1, i2, 0))
        pltpu.sync_copy(sc_v, scores_hbm)
        pltpu.sync_copy(idx_v, idx_hbm)


def _fused_body(idx_ref, sp_ref, x_ref, w0_ref, w1_ref, b0_ref, b1_ref,
                out_ref, wc_scr):
    del idx_ref
    m = pl.program_id(0)
    _, _, p0, p1 = _top2(sp_ref[...])

    @pl.when(m == 0)
    def _():
        wc_scr[...] = (p0 * w0_ref[0] + p1 * w1_ref[0]).astype(jnp.bfloat16)

    acc = jnp.dot(x_ref[...].astype(jnp.bfloat16), wc_scr[...],
                  preferred_element_type=jnp.float32)
    out_ref[...] = acc + (p0 * b0_ref[0] + p1 * b1_ref[0])


@jax.jit
def kernel(x, W, b, scaling_params):
    sp = scaling_params.reshape(1, E)
    b3 = b.reshape(E, 1, D)

    sp_pad = jnp.concatenate(
        [scaling_params, jnp.full((_SCW - E,), _PAD, jnp.float32)])
    sc_gate = functools.partial(
        pl.kernel,
        mesh=plsc.VectorSubcoreMesh(core_axis_name="c", subcore_axis_name="s"),
        out_type=[
            jax.ShapeDtypeStruct((_SCW,), jnp.int32),
            jax.ShapeDtypeStruct((_SCW,), jnp.float32),
        ],
        scratch_types=[
            pltpu.VMEM((_SCW,), jnp.float32),
            pltpu.VMEM((_SCW,), jnp.int32),
            pltpu.VMEM((_SCW,), jnp.float32),
            pltpu.VMEM((_SCW,), jnp.float32),
        ],
        compiler_params=pltpu.CompilerParams(needs_layout_passes=False),
    )(_sc_gating_body)
    idx_pad, scores16 = sc_gate(sp_pad)
    idx = idx_pad[:2]
    scores = scores16[:E]

    out = pl.pallas_call(
        _fused_body,
        grid_spec=pltpu.PrefetchScalarGridSpec(
            num_scalar_prefetch=1,
            grid=(_NM,),
            in_specs=[
                pl.BlockSpec((1, E), lambda m, idx: (0, 0)),
                pl.BlockSpec((_BM, D), lambda m, idx: (m, 0)),
                pl.BlockSpec((1, D, D), lambda m, idx: (idx[0], 0, 0)),
                pl.BlockSpec((1, D, D), lambda m, idx: (idx[1], 0, 0)),
                pl.BlockSpec((1, 1, D), lambda m, idx: (idx[0], 0, 0)),
                pl.BlockSpec((1, 1, D), lambda m, idx: (idx[1], 0, 0)),
            ],
            out_specs=pl.BlockSpec((_BM, D), lambda m, idx: (m, 0)),
            scratch_shapes=[pltpu.VMEM((D, D), jnp.bfloat16)],
        ),
        out_shape=jax.ShapeDtypeStruct((TOKENS, D), jnp.float32),
        compiler_params=pltpu.CompilerParams(
            dimension_semantics=("arbitrary",),
            vmem_limit_bytes=100 * 1024 * 1024),
    )(idx, sp, x, W, W, b3, b3)

    return out, scores

# --- scband reference (transcript-rebuilt; emitter-appended) ---
"""Pipeline reference for scband-learned-backbone-57655640981610 (READ-ONLY COPY).

The authoritative reference and input builder live on the scoring server;
editing this copy changes nothing except your own understanding.
"""

import jax, jax.numpy as jnp
import numpy as np

E = 8
D = 2048
TOKENS = 8192
K_EXPERTS = 2


def setup_inputs(seed: int = 0) -> dict:
    key = jax.random.key(seed)
    k1, k2, k3, k4 = jax.random.split(key, 4)
    x = jax.random.normal(k1, (TOKENS, D), dtype=jnp.float32)
    # Expert (backbone) parameters: each backbone is Linear(D, D)
    W = jax.random.normal(k2, (E, D, D), dtype=jnp.float32) * (1.0 / np.sqrt(D))
    b = jax.random.normal(k3, (E, D), dtype=jnp.float32) * 0.01
    # torch init is ones(); add tiny noise so top-k is not degenerate/tied
    scaling_params = jnp.ones((E,), dtype=jnp.float32) + 0.01 * jax.random.normal(k4, (E,), dtype=jnp.float32)
    return {"x": x, "W": W, "b": b, "scaling_params": scaling_params}


def reference(x, W, b, scaling_params):
    # option == 'add_k' path of learned_backbone.forward
    top_k_values, top_k_indices = jax.lax.top_k(scaling_params, K_EXPERTS)
    top_k_probabilities = jax.nn.softmax(top_k_values, axis=0)
    # out = prob_0 * backbones[idx_0](x)
    W0 = jnp.take(W, top_k_indices[0], axis=0)
    b0 = jnp.take(b, top_k_indices[0], axis=0)
    out = top_k_probabilities[0] * (x @ W0 + b0)
    for i in range(1, K_EXPERTS):
        Wi = jnp.take(W, top_k_indices[i], axis=0)
        bi = jnp.take(b, top_k_indices[i], axis=0)
        out = out + top_k_probabilities[i] * (x @ Wi + bi)
    # backbone_scores = zeros(E).scatter(0, top_k_indices, top_k_probabilities)  (overwrite scatter)
    backbone_scores = jnp.zeros((E,), dtype=x.dtype).at[top_k_indices].set(top_k_probabilities)
    return out, backbone_scores

if __name__ == "__main__":
    import jax
    _d = setup_inputs()
    print(jax.jit(kernel)(*tuple(_d.values())))

</pallas_src>

<mosaic_0001>
#map = affine_map<(d0, d1) -> (0)>
module attributes {stable_mosaic.version = 14 : i64} {
  func.func @_sc_gating_body(%arg0: i32, %arg1: i32, %arg2: memref<16xf32, #tpu.memory_space<hbm>>, %arg3: memref<16xi32, #tpu.memory_space<hbm>>, %arg4: memref<16xf32, #tpu.memory_space<hbm>>, %arg5: memref<16xf32, #tpu.memory_space<vmem>>, %arg6: memref<16xi32, #tpu.memory_space<vmem>>, %arg7: memref<16xf32, #tpu.memory_space<vmem>>, %arg8: memref<16xf32, #tpu.memory_space<vmem>>) attributes {dimension_semantics = [#tpu.dimension_semantics<core_parallel>, #tpu.dimension_semantics<subcore_parallel>], iteration_bounds = array<i64: 2, 16>, scalar_prefetch = 0 : i64, scratch_operands = 4 : i64, tpu.core_type = #tpu.core_type<sc_vector_subcore>, window_params = [{transform_indices = #map}, {transform_indices = #map}, {transform_indices = #map}]} {
    %eq3A = arith.constant 0 : i32
    %eq3A_0 = arith.cmpi eq, %arg0, %eq3A : i32
    %eq3A_1 = arith.constant 0 : i32
    %eq3A_2 = arith.cmpi eq, %arg1, %eq3A_1 : i32
    %and3A = arith.andi %eq3A_0, %eq3A_2 : i1
    %convert_element_type3A = arith.extui %and3A : i1 to i32
    %cond3A = arith.constant 0 : i32
    %cond3A_3 = arith.cmpi ne, %convert_element_type3A, %cond3A : i32
    scf.if %cond3A_3 {
      "tpu.region"() ({
        %run_scoped3A = tpu.sem_alloc : memref<!tpu.dma_semaphore, #tpu.memory_space<semaphore_mem>>
        tpu.enqueue_dma source(%arg2 : memref<16xf32, #tpu.memory_space<hbm>>) target(%arg5 : memref<16xf32, #tpu.memory_space<vmem>>) target_semaphore(%run_scoped3A : memref<!tpu.dma_semaphore, #tpu.memory_space<semaphore_mem>>)
        tpu.wait_dma2 semaphore(%run_scoped3A : memref<!tpu.dma_semaphore, #tpu.memory_space<semaphore_mem>>) src(%arg2 : memref<16xf32, #tpu.memory_space<hbm>>) dst(%arg5 : memref<16xf32, #tpu.memory_space<vmem>>)
        tpu.yield
      }) : () -> ()
      %get3A = arith.constant 0 : index
      %get3A_4 = tpu.vector_load %arg5[%get3A] {strides = array<i32>} : memref<16xf32, #tpu.memory_space<vmem>>, vector<16xf32>,
      %iota3A = tpu.iota {dimensions = array<i32: 0>} : vector<16xi32>
      %masked_sort3A = arith.constant dense<true> : vector<16xi1>
      %masked_sort3A_5, %masked_sort3A_6, %masked_sort3A_7 = tpu.sort %get3A_4, %iota3A masked %masked_sort3A : (vector<16xf32>, vector<16xi32>, vector<16xi1>) -> (vector<16xi1>, vector<16xf32>, vector<16xi32>)
      %swap3A = arith.constant 0 : index
      %swap3A_8 = tpu.vector_load %arg8[%swap3A] {strides = array<i32>} : memref<16xf32, #tpu.memory_space<vmem>>, vector<16xf32>,
      tpu.vector_store %arg8[%swap3A], %masked_sort3A_6 {strides = array<i32>} : memref<16xf32, #tpu.memory_space<vmem>>, vector<16xf32>,
      %broadcast_in_dim3A = arith.constant 0 : i32
      %broadcast_in_dim3A_9 = vector.broadcast %broadcast_in_dim3A : i32 to vector<16xi32>
      %add3A = arith.constant 15 : i32
      %add3A_10 = vector.broadcast %add3A : i32 to vector<16xi32>
      %add3A_11 = arith.addi %broadcast_in_dim3A_9, %add3A_10 : vector<16xi32>
      %gather3A = tpu.vector_load_idx %arg8[%add3A_11] : memref<16xf32, #tpu.memory_space<vmem>>[vector<16xi32>], vector<16xf32>,
      %add3A_12 = arith.constant 14 : i32
      %add3A_13 = vector.broadcast %add3A_12 : i32 to vector<16xi32>
      %add3A_14 = arith.addi %broadcast_in_dim3A_9, %add3A_13 : vector<16xi32>
      %gather3A_15 = tpu.vector_load_idx %arg8[%add3A_14] : memref<16xf32, #tpu.memory_space<vmem>>[vector<16xi32>], vector<16xf32>,
      %eq3A_16 = arith.cmpf oeq, %get3A_4, %gather3A : vector<16xf32>
      %all_reduce_ffs3A = tpu.all_reduce %eq3A_16 {dim = 0 : i64, kind = #tpu.reduction_kind<find_first_set>} : vector<16xi1> -> vector<16xi32>
      %eq3A_17 = arith.cmpi eq, %iota3A, %all_reduce_ffs3A : vector<16xi32>
      %jit3A = arith.constant -3.000000e+38 : f32
      %broadcast_in_dim3A_18 = vector.broadcast %jit3A : f32 to vector<16xf32>
      %select_n3A = arith.select %eq3A_17, %broadcast_in_dim3A_18, %get3A_4 : vector<16xi1>, vector<16xf32>
      %eq3A_19 = arith.cmpf oeq, %select_n3A, %gather3A_15 : vector<16xf32>
      %all_reduce_ffs3A_20 = tpu.all_reduce %eq3A_19 {dim = 0 : i64, kind = #tpu.reduction_kind<find_first_set>} : vector<16xi1> -> vector<16xi32>
      %eq3A_21 = arith.cmpi eq, %iota3A, %all_reduce_ffs3A : vector<16xi32>
      %eq3A_22 = arith.cmpi eq, %iota3A, %all_reduce_ffs3A_20 : vector<16xi32>
      %or3A = arith.ori %eq3A_21, %eq3A_22 : vector<16xi1>
      %sub3A = arith.subf %get3A_4, %gather3A : vector<16xf32>
      %exp3A = math.exp %sub3A : vector<16xf32>
      %jit3A_23 = arith.constant 0.000000e+00 : f32
      %broadcast_in_dim3A_24 = vector.broadcast %jit3A_23 : f32 to vector<16xf32>
      %select_n3A_25 = arith.select %or3A, %exp3A, %broadcast_in_dim3A_24 : vector<16xi1>, vector<16xf32>
      %sub3A_26 = arith.subf %gather3A_15, %gather3A : vector<16xf32>
      %exp3A_27 = math.exp %sub3A_26 : vector<16xf32>
      %add3A_28 = arith.constant 1.000000e+00 : f32
      %add3A_29 = vector.broadcast %add3A_28 : f32 to vector<16xf32>
      %add3A_30 = arith.addf %add3A_29, %exp3A_27 : vector<16xf32>
      %div3A = arith.divf %select_n3A_25, %add3A_30 : vector<16xf32>
      %swap3A_31 = arith.constant 0 : index
      %swap3A_32 = tpu.vector_load %arg7[%swap3A_31] {strides = array<i32>} : memref<16xf32, #tpu.memory_space<vmem>>, vector<16xf32>,
      tpu.vector_store %arg7[%swap3A_31], %div3A {strides = array<i32>} : memref<16xf32, #tpu.memory_space<vmem>>, vector<16xf32>,
      %eq3A_33 = arith.constant 0 : i32
      %eq3A_34 = vector.broadcast %eq3A_33 : i32 to vector<16xi32>
      %eq3A_35 = arith.cmpi eq, %iota3A, %eq3A_34 : vector<16xi32>
      %eq3A_36 = arith.constant 1 : i32
      %eq3A_37 = vector.broadcast %eq3A_36 : i32 to vector<16xi32>
      %eq3A_38 = arith.cmpi eq, %iota3A, %eq3A_37 : vector<16xi32>
      %jit3A_39 = arith.constant 0 : i32
      %broadcast_in_dim3A_40 = vector.broadcast %jit3A_39 : i32 to vector<16xi32>
      %select_n3A_41 = arith.select %eq3A_38, %all_reduce_ffs3A_20, %broadcast_in_dim3A_40 : vector<16xi1>, vector<16xi32>
      %select_n3A_42 = arith.select %eq3A_35, %all_reduce_ffs3A, %select_n3A_41 : vector<16xi1>, vector<16xi32>
      %swap3A_43 = arith.constant 0 : index
      %swap3A_44 = tpu.vector_load %arg6[%swap3A_43] {strides = array<i32>} : memref<16xi32, #tpu.memory_space<vmem>>, vector<16xi32>,
      tpu.vector_store %arg6[%swap3A_43], %select_n3A_42 {strides = array<i32>} : memref<16xi32, #tpu.memory_space<vmem>>, vector<16xi32>,
      "tpu.region"() ({
        %run_scoped3A = tpu.sem_alloc : memref<!tpu.dma_semaphore, #tpu.memory_space<semaphore_mem>>
        tpu.enqueue_dma source(%arg7 : memref<16xf32, #tpu.memory_space<vmem>>) target(%arg4 : memref<16xf32, #tpu.memory_space<hbm>>) target_semaphore(%run_scoped3A : memref<!tpu.dma_semaphore, #tpu.memory_space<semaphore_mem>>)
        tpu.wait_dma2 semaphore(%run_scoped3A : memref<!tpu.dma_semaphore, #tpu.memory_space<semaphore_mem>>) src(%arg7 : memref<16xf32, #tpu.memory_space<vmem>>) dst(%arg4 : memref<16xf32, #tpu.memory_space<hbm>>)
        tpu.yield
      }) : () -> ()
      "tpu.region"() ({
        %run_scoped3A = tpu.sem_alloc : memref<!tpu.dma_semaphore, #tpu.memory_space<semaphore_mem>>
        tpu.enqueue_dma source(%arg6 : memref<16xi32, #tpu.memory_space<vmem>>) target(%arg3 : memref<16xi32, #tpu.memory_space<hbm>>) target_semaphore(%run_scoped3A : memref<!tpu.dma_semaphore, #tpu.memory_space<semaphore_mem>>)
        tpu.wait_dma2 semaphore(%run_scoped3A : memref<!tpu.dma_semaphore, #tpu.memory_space<semaphore_mem>>) src(%arg6 : memref<16xi32, #tpu.memory_space<vmem>>) dst(%arg3 : memref<16xi32, #tpu.memory_space<hbm>>)
        tpu.yield
      }) : () -> ()
    } else {
    }
    return
  }
}

module attributes {stable_mosaic.version = 14 : i64} {
  func.func @_fused_body(%arg0: i32, %arg1: memref<2xi32, #tpu.memory_space<smem>>, %arg2: memref<1x8xf32, #tpu.memory_space<vmem>>, %arg3: memref<512x2048xf32, #tpu.memory_space<vmem>>, %arg4: memref<1x2048x2048xf32, #tpu.memory_space<vmem>>, %arg5: memref<1x2048x2048xf32, #tpu.memory_space<vmem>>, %arg6: memref<1x1x2048xf32, #tpu.memory_space<vmem>>, %arg7: memref<1x1x2048xf32, #tpu.memory_space<vmem>>, %arg8: memref<512x2048xf32, #tpu.memory_space<vmem>>, %arg9: memref<2048x2048xbf16, #tpu.memory_space<vmem>>) attributes {dimension_semantics = [#tpu.dimension_semantics<arbitrary>], iteration_bounds = array<i64: 16>, scalar_prefetch = 1 : i64, scratch_operands = 1 : i64, tpu.core_type = #tpu.core_type<tc>, window_params = [{pipeline_mode = #tpu.pipeline_mode<synchronous>, transform_indices = @transform_0, window_bounds = array<i64: 1, 8>}, {transform_indices = @transform_1, window_bounds = array<i64: 512, 2048>}, {transform_indices = @transform_2, window_bounds = array<i64: 1, 2048, 2048>}, {transform_indices = @transform_3, window_bounds = array<i64: 1, 2048, 2048>}, {transform_indices = @transform_4, window_bounds = array<i64: 1, 1, 2048>}, {transform_indices = @transform_5, window_bounds = array<i64: 1, 1, 2048>}, {transform_indices = @transform_6, window_bounds = array<i64: 512, 2048>}]} {
    %get3A = arith.constant 0 : index
    %get3A_0 = arith.constant 0 : index
    %get3A_1 = vector.load %arg2[%get3A, %get3A_0] : memref<1x8xf32, #tpu.memory_space<vmem>>, vector<1x8xf32>
    %iota3A = tpu.iota {dimensions = array<i32: 1>} : vector<1x8xi32>
    %reduce_max3A = vector.shape_cast %get3A_1 : vector<1x8xf32> to vector<1x1x8xf32>
    %reduce_max3A_2 = arith.constant dense<0xFF800000> : vector<1xf32>
    %reduce_max3A_3 = vector.multi_reduction <maximumf>, %reduce_max3A, %reduce_max3A_2 [1, 2] : vector<1x1x8xf32> to vector<1xf32>
    %reduce_max3A_4 = vector.shape_cast %reduce_max3A_3 : vector<1xf32> to vector<1x1x1xf32>
    %reduce_max3A_5 = vector.extract %reduce_max3A_4[0, 0, 0] : f32 from vector<1x1x1xf32>
    %eq3A = vector.broadcast %reduce_max3A_5 : f32 to vector<1x8xf32>
    %eq3A_6 = arith.cmpf oeq, %get3A_1, %eq3A : vector<1x8xf32>
    %jit3A = arith.constant 8 : i32
    %broadcast_in_dim3A = vector.broadcast %jit3A : i32 to vector<1x8xi32>
    %select_n3A = arith.select %eq3A_6, %iota3A, %broadcast_in_dim3A : vector<1x8xi1>, vector<1x8xi32>
    %reduce_min3A = vector.shape_cast %select_n3A : vector<1x8xi32> to vector<1x1x8xi32>
    %reduce_min3A_7 = arith.constant dense<2147483647> : vector<1xi32>
    %reduce_min3A_8 = vector.multi_reduction <minsi>, %reduce_min3A, %reduce_min3A_7 [1, 2] : vector<1x1x8xi32> to vector<1xi32>
    %reduce_min3A_9 = vector.shape_cast %reduce_min3A_8 : vector<1xi32> to vector<1x1x1xi32>
    %reduce_min3A_10 = vector.extract %reduce_min3A_9[0, 0, 0] : i32 from vector<1x1x1xi32>
    %eq3A_11 = vector.broadcast %reduce_min3A_10 : i32 to vector<1x8xi32>
    %eq3A_12 = arith.cmpi eq, %iota3A, %eq3A_11 : vector<1x8xi32>
    %jit3A_13 = arith.constant 0xFF800000 : f32
    %broadcast_in_dim3A_14 = vector.broadcast %jit3A_13 : f32 to vector<1x8xf32>
    %select_n3A_15 = arith.select %eq3A_12, %broadcast_in_dim3A_14, %get3A_1 : vector<1x8xi1>, vector<1x8xf32>
    %reduce_max3A_16 = vector.shape_cast %select_n3A_15 : vector<1x8xf32> to vector<1x1x8xf32>
    %reduce_max3A_17 = arith.constant dense<0xFF800000> : vector<1xf32>
    %reduce_max3A_18 = vector.multi_reduction <maximumf>, %reduce_max3A_16, %reduce_max3A_17 [1, 2] : vector<1x1x8xf32> to vector<1xf32>
    %reduce_max3A_19 = vector.shape_cast %reduce_max3A_18 : vector<1xf32> to vector<1x1x1xf32>
    %reduce_max3A_20 = vector.extract %reduce_max3A_19[0, 0, 0] : f32 from vector<1x1x1xf32>
    %sub3A = arith.subf %reduce_max3A_20, %reduce_max3A_5 : f32
    %exp3A = math.exp %sub3A : f32
    %add3A = arith.constant 1.000000e+00 : f32
    %add3A_21 = arith.addf %add3A, %exp3A : f32
    %div3A = arith.constant 1.000000e+00 : f32
    %div3A_22 = arith.divf %div3A, %add3A_21 : f32
    %div3A_23 = arith.divf %exp3A, %add3A_21 : f32
    %eq3A_24 = arith.constant 0 : i32
    %eq3A_25 = arith.cmpi eq, %arg0, %eq3A_24 : i32
    %convert_element_type3A = arith.extui %eq3A_25 : i1 to i32
    %cond3A = arith.constant 0 : i32
    %cond3A_26 = arith.cmpi ne, %convert_element_type3A, %cond3A : i32
    scf.if %cond3A_26 {
      %get3A_53 = arith.constant 0 : index
      %get3A_54 = arith.constant 0 : index
      %get3A_55 = arith.constant 0 : index
      %get3A_56 = vector.load %arg4[%get3A_53, %get3A_54, %get3A_55] : memref<1x2048x2048xf32, #tpu.memory_space<vmem>>, vector<1x2048x2048xf32>
      %get3A_57 = vector.shape_cast %get3A_56 : vector<1x2048x2048xf32> to vector<2048x2048xf32>
      %mul3A_58 = vector.broadcast %div3A_22 : f32 to vector<2048x2048xf32>
      %mul3A_59 = arith.mulf %mul3A_58, %get3A_57 : vector<2048x2048xf32>
      %get3A_60 = arith.constant 0 : index
      %get3A_61 = arith.constant 0 : index
      %get3A_62 = arith.constant 0 : index
      %get3A_63 = vector.load %arg5[%get3A_60, %get3A_61, %get3A_62] : memref<1x2048x2048xf32, #tpu.memory_space<vmem>>, vector<1x2048x2048xf32>
      %get3A_64 = vector.shape_cast %get3A_63 : vector<1x2048x2048xf32> to vector<2048x2048xf32>
      %mul3A_65 = vector.broadcast %div3A_23 : f32 to vector<2048x2048xf32>
      %mul3A_66 = arith.mulf %mul3A_65, %get3A_64 : vector<2048x2048xf32>
      %add3A_67 = arith.addf %mul3A_59, %mul3A_66 : vector<2048x2048xf32>
      %convert_element_type3A_68 = arith.truncf %add3A_67 : vector<2048x2048xf32> to vector<2048x2048xbf16>
      %swap3A_69 = arith.constant 0 : index
      %swap3A_70 = arith.constant 0 : index
      %swap3A_71 = vector.load %arg9[%swap3A_69, %swap3A_70] : memref<2048x2048xbf16, #tpu.memory_space<vmem>>, vector<2048x2048xbf16>
      tpu.vector_store %arg9[%swap3A_69, %swap3A_70], %convert_element_type3A_68 {strides = array<i32>} : memref<2048x2048xbf16, #tpu.memory_space<vmem>>, vector<2048x2048xbf16>,
    } else {
    }
    %get3A_27 = arith.constant 0 : index
    %get3A_28 = arith.constant 0 : index
    %get3A_29 = vector.load %arg3[%get3A_27, %get3A_28] : memref<512x2048xf32, #tpu.memory_space<vmem>>, vector<512x2048xf32>
    %convert_element_type3A_30 = arith.truncf %get3A_29 : vector<512x2048xf32> to vector<512x2048xbf16>
    %get3A_31 = arith.constant 0 : index
    %get3A_32 = arith.constant 0 : index
    %get3A_33 = vector.load %arg9[%get3A_31, %get3A_32] : memref<2048x2048xbf16, #tpu.memory_space<vmem>>, vector<2048x2048xbf16>
    %dot_general3A = arith.constant dense<0.000000e+00> : vector<512x2048xf32>
    %dot_general3A_34 = tpu.matmul %convert_element_type3A_30, %get3A_33, %dot_general3A {dimension_numbers = #tpu.dot_dimension_numbers<[1], [0], [0], [1], [0, 0, 1, 1], [], []>, transpose_lhs_hint = false} : vector<512x2048xbf16>, vector<2048x2048xbf16>, vector<512x2048xf32> -> vector<512x2048xf32>
    %get3A_35 = arith.constant 0 : index
    %get3A_36 = arith.constant 0 : index
    %get3A_37 = arith.constant 0 : index
    %get3A_38 = vector.load %arg6[%get3A_35, %get3A_36, %get3A_37] : memref<1x1x2048xf32, #tpu.memory_space<vmem>>, vector<1x1x2048xf32>
    %get3A_39 = vector.shape_cast %get3A_38 : vector<1x1x2048xf32> to vector<1x2048xf32>
    %mul3A = vector.broadcast %div3A_22 : f32 to vector<1x2048xf32>
    %mul3A_40 = arith.mulf %mul3A, %get3A_39 : vector<1x2048xf32>
    %get3A_41 = arith.constant 0 : index
    %get3A_42 = arith.constant 0 : index
    %get3A_43 = arith.constant 0 : index
    %get3A_44 = vector.load %arg7[%get3A_41, %get3A_42, %get3A_43] : memref<1x1x2048xf32, #tpu.memory_space<vmem>>, vector<1x1x2048xf32>
    %get3A_45 = vector.shape_cast %get3A_44 : vector<1x1x2048xf32> to vector<1x2048xf32>
    %mul3A_46 = vector.broadcast %div3A_23 : f32 to vector<1x2048xf32>
    %mul3A_47 = arith.mulf %mul3A_46, %get3A_45 : vector<1x2048xf32>
    %add3A_48 = arith.addf %mul3A_40, %mul3A_47 : vector<1x2048xf32>
    %add3A_49 = vector.broadcast %add3A_48 : vector<1x2048xf32> to vector<512x2048xf32>
    %add3A_50 = arith.addf %dot_general3A_34, %add3A_49 : vector<512x2048xf32>
    %swap3A = arith.constant 0 : index
    %swap3A_51 = arith.constant 0 : index
    %swap3A_52 = vector.load %arg8[%swap3A, %swap3A_51] : memref<512x2048xf32, #tpu.memory_space<vmem>>, vector<512x2048xf32>
    tpu.vector_store %arg8[%swap3A, %swap3A_51], %add3A_50 {strides = array<i32>} : memref<512x2048xf32, #tpu.memory_space<vmem>>, vector<512x2048xf32>,
    return
  }
  func.func @transform_0(%arg0: i32, %arg1: memref<2xi32, #tpu.memory_space<smem>>) -> (i32, i32) {
    %c0_i32 = arith.constant 0 : i32
    %c0_i32_0 = arith.constant 0 : i32
    %c0_i32_1 = arith.constant 0 : i32
    return %c0_i32, %c0_i32_0 : i32, i32
  }
  func.func @transform_1(%arg0: i32, %arg1: memref<2xi32, #tpu.memory_space<smem>>) -> (i32, i32) {
    %c0_i32 = arith.constant 0 : i32
    %c0_i32_0 = arith.constant 0 : i32
    return %arg0, %c0_i32 : i32, i32
  }
  func.func @transform_2(%arg0: i32, %arg1: memref<2xi32, #tpu.memory_space<smem>>) -> (i32, i32, i32) {
    %get3A = arith.constant 0 : index
    %get3A_0 = memref.load %arg1[%get3A] : memref<2xi32, #tpu.memory_space<smem>>
    %c0_i32 = arith.constant 0 : i32
    %c0_i32_1 = arith.constant 0 : i32
    %c0_i32_2 = arith.constant 0 : i32
    return %get3A_0, %c0_i32, %c0_i32_1 : i32, i32, i32
  }
  func.func @transform_3(%arg0: i32, %arg1: memref<2xi32, #tpu.memory_space<smem>>) -> (i32, i32, i32) {
    %get3A = arith.constant 1 : index
    %get3A_0 = memref.load %arg1[%get3A] : memref<2xi32, #tpu.memory_space<smem>>
    %c0_i32 = arith.constant 0 : i32
    %c0_i32_1 = arith.constant 0 : i32
    %c0_i32_2 = arith.constant 0 : i32
    return %get3A_0, %c0_i32, %c0_i32_1 : i32, i32, i32
  }
  func.func @transform_4(%arg0: i32, %arg1: memref<2xi32, #tpu.memory_space<smem>>) -> (i32, i32, i32) {
    %get3A = arith.constant 0 : index
    %get3A_0 = memref.load %arg1[%get3A] : memref<2xi32, #tpu.memory_space<smem>>
    %c0_i32 = arith.constant 0 : i32
    %c0_i32_1 = arith.constant 0 : i32
    %c0_i32_2 = arith.constant 0 : i32
    return %get3A_0, %c0_i32, %c0_i32_1 : i32, i32, i32
  }
  func.func @transform_5(%arg0: i32, %arg1: memref<2xi32, #tpu.memory_space<smem>>) -> (i32, i32, i32) {
    %get3A = arith.constant 1 : index
    %get3A_0 = memref.load %arg1[%get3A] : memref<2xi32, #tpu.memory_space<smem>>
    %c0_i32 = arith.constant 0 : i32
    %c0_i32_1 = arith.constant 0 : i32
    %c0_i32_2 = arith.constant 0 : i32
    return %get3A_0, %c0_i32, %c0_i32_1 : i32, i32, i32
  }
  func.func @transform_6(%arg0: i32, %arg1: memref<2xi32, #tpu.memory_space<smem>>) -> (i32, i32) {
    %c0_i32 = arith.constant 0 : i32
    %c0_i32_0 = arith.constant 0 : i32
    return %arg0, %c0_i32 : i32, i32
  }
}

</mosaic_0001>

<sc_bundles>
// kernel: kernel.4.cloned.1.call-start
scs
__scs_entry_jumppad:
0x0: {  	(pc) =	sbr.rel $0x88, $3  }
0x1: {  	(tag) =	ssettag $0x0;
	lr =	simm.s32 $0x1  }
0x2: {  	[smem:$0x3F9D] =	sst lr;
	_ =	strace $0xD0000000  }
0x3: {  	_ = 	snop  }
0x4: {  	_ = 	snop  }
0x5: {  	_ = 	snop  }
0x6: {  	_ = 	snop  }
0x7: {  	_ = 	snop  }
__scs_overlays_trampoline_lowered:
0x8: {  	[smem:$0x3FAC] =	sst s0  }
0x9: {  	[smem:$0x3FAD] =	sst s1  }
0xa: {  	[smem:$0x3FAE] =	sst s2  }
0xb: {  	[smem:$0x3FAF] =	sst s3  }
0xc: {  	[smem:$0x3FB0] =	sst s4  }
0xd: {  	[smem:$0x3FB1] =	sst s5  }
0xe: {  	[smem:$0x3FB2] =	sst s6  }
0xf: {  	[smem:$0x3FB3] =	sst s7  }
0x10: {  	[smem:$0x3FB4] =	sst s8  }
0x11: {  	[smem:$0x3FB5] =	sst s9;
	s0 =	simm.s32 @!p0 $0x0  }
0x12: {  	s1 =	sld [smem:$0x3F9B];
	s0 =	simm.s32 @p0 $0x1  }
0x13: {  	[smem:$0x3FB6] =	sst s0;
	s0 =	simm.s32 @!p1 $0x0  }
0x14: {  	s2 =	sld [smem:$0x3F9A];
	s0 =	simm.s32 @p1 $0x1  }
0x15: {  	[smem:$0x3FB7] =	sst s0;
	s0 =	simm.s32 @!p2 $0x0  }
0x16: {  	s3 =	sld [smem:$0x3FDB];
	s0 =	simm.s32 @p2 $0x1  }
0x17: {  	s4 =	simm.s32 $0x1BF5;
	[smem:$0x3FB9] =	sst s0  }
0x18: {  	s0 =	sld [smem:$0x3F9C];
	_ =	swait.ge [sflag:s4], $0x0  }
0x19: {  	s7 =	sld [smem:$0x3F9D]  }
0x1a: {  	s8 =	sadd.s32 $0xFFFFE003, lr  }
0x1b: {  	s9 =	sadd.s32 $0xFFFFFEF7, lr;
	s5 =	simm.s32 $0xFFFFFFFF;
	p2 =	slt.u32 s8, $0xFFFFF086  }
0x1c: {  	p1 =	slt.u32 s9, $0xF7A;
	s5 =	simm.s32 @!p2 $0x0  }
0x1d: {  	s5 =	simm.s32 @p1 $0x1;
	p0 =	seq.s32 s7, s2  }
0x1e: {  	s7 =	smul.u32 @!p0 $0xF7A, s2;
	p2 =	seq.s32 @!p0 s5, $0x0  }
0x1f: {  	s9 =	smul.u32 $0xF7A, s1;
	s8 =	simm.s32 @!p0 $0x1BF5;
	p2 =	por !p2, p0  }
0x20: {  	[sflag:s8] =	ssyncset.s32 @!p0 $0xFFFFF086;
	s6 =	sadd.s32 @!p0 s3, s7;
	s7 =	simm.s32 @!p0 $0x108  }
0x21: {  	s3 =	sadd.s32 s3, s9;
	s6 =	sadd.s32 @!p0 $0x88, s6;
	s7 =	simm.s32 @p2 $0x1082  }
0x22: {  	[simem:s7], [sflag:s8] =	dma.local @!p0 [hbm:s6], $0xF7A  }
0x23: {  	s9 =	sor.u32 $0xD0000000, s2;
	s6 =	simm.s32 $0x108;
	_ =	swait.ge @!p0 [sflag:s8], $0x0  }
0x24: {  	s3 =	sadd.s32 $0x88, s3;
	s6 =	simm.s32 @!p1 $0x1082;
	[sflag:s4] =	ssyncset.s32 $0xFFFFF086  }
0x25: {  	[simem:s6], [sflag:s4] =	dma.local [hbm:s3], $0xF7A  }
0x26: {  	[smem:$0x3F9D] =	sst s1;
	(tag) =	ssettag s2;
	_ =	strace s9  }
0x27: {  	s1 =	sld [smem:$0x3FAD]  }
0x28: {  	s2 =	sld [smem:$0x3FAE]  }
0x29: {  	s4 =	sld [smem:$0x3FB0]  }
0x2a: {  	p0 =	seq.s32 s5, $0x0;
	s5 =	sld [smem:$0x3FB1]  }
0x2b: {  	s6 =	sld [smem:$0x3FB2]  }
0x2c: {  	s7 =	sld [smem:$0x3FB3]  }
0x2d: {  	s3 =	simm.s32 $0x108;
	s8 =	sld [smem:$0x3FB4]  }
0x2e: {  	s3 =	simm.s32 @!p0 $0x1082;
	s9 =	sld [smem:$0x3FB5]  }
0x2f: {  	lr =	sadd.s32 s0, s3;
	s0 =	sld [smem:$0x3FAC]  }
0x30: {  	s3 =	sld [smem:$0x3FAF]  }
0x31: {  	[smem:$0x3FB8] =	sst s10  }
0x32: {  	s10 =	sld [smem:$0x3FB6];
	_ =	sdelay $0x3  }
0x33: {  	p0 =	seq.s32 s10, $0x1;
	s10 =	sld [smem:$0x3FB8];
	_ =	sdelay $0x3  }
0x34: {  	[smem:$0x3FB8] =	sst s10  }
0x35: {  	s10 =	sld [smem:$0x3FB7];
	_ =	sdelay $0x3  }
0x36: {  	p1 =	seq.s32 s10, $0x1;
	s10 =	sld [smem:$0x3FB8];
	_ =	sdelay $0x3  }
0x37: {  	[smem:$0x3FB8] =	sst s10  }
0x38: {  	s10 =	sld [smem:$0x3FB9]  }
0x39: {  	_ = 	snop;
	(pc) =	sbr.ind lr, $3  }
0x3a: {  	_ = 	snop  }
0x3b: {  	_ = 	snop  }
0x3c: {  	p2 =	seq.s32 s10, $0x1;
	s10 =	sld [smem:$0x3FB8]  }
0x3d: {  	_ =	shalt  }
0x3e: {  	_ =	shalt  }
0x3f: {  	_ =	shalt  }
0x40: {  	_ =	shalt  }
0x41: {  	_ =	shalt  }
0x42: {  	_ =	shalt  }
0x43: {  	_ =	shalt  }
0x44: {  	_ =	shalt  }
0x45: {  	_ =	shalt  }
0x46: {  	_ =	shalt  }
0x47: {  	_ =	shalt  }
0x48: {  	_ =	shalt  }
0x49: {  	_ =	shalt  }
0x4a: {  	_ =	shalt  }
0x4b: {  	_ =	shalt  }
0x4c: {  	_ =	shalt  }
0x4d: {  	_ =	shalt  }
0x4e: {  	_ =	shalt  }
0x4f: {  	_ =	shalt  }
0x50: {  	_ =	shalt  }
0x51: {  	_ =	shalt  }
0x52: {  	_ =	shalt  }
0x53: {  	_ =	shalt  }
0x54: {  	_ =	shalt  }
0x55: {  	_ =	shalt  }
0x56: {  	_ =	shalt  }
0x57: {  	_ =	shalt  }
0x58: {  	_ =	shalt  }
0x59: {  	_ =	shalt  }
0x5a: {  	_ =	shalt  }
0x5b: {  	_ =	shalt  }
0x5c: {  	_ =	shalt  }
0x5d: {  	_ =	shalt  }
0x5e: {  	_ =	shalt  }
0x5f: {  	_ =	shalt  }
0x60: {  	_ =	shalt  }
0x61: {  	_ =	shalt  }
0x62: {  	_ =	shalt  }
0x63: {  	_ =	shalt  }
0x64: {  	_ =	shalt  }
0x65: {  	_ =	shalt  }
0x66: {  	_ =	shalt  }
0x67: {  	_ =	shalt  }
0x68: {  	_ =	shalt  }
0x69: {  	_ =	shalt  }
0x6a: {  	_ =	shalt  }
0x6b: {  	_ =	shalt  }
0x6c: {  	_ =	shalt  }
0x6d: {  	_ =	shalt  }
0x6e: {  	_ =	shalt  }
0x6f: {  	_ =	shalt  }
0x70: {  	_ =	shalt  }
0x71: {  	_ =	shalt  }
0x72: {  	_ =	shalt  }
0x73: {  	_ =	shalt  }
0x74: {  	_ =	shalt  }
0x75: {  	_ =	shalt  }
0x76: {  	_ =	shalt  }
0x77: {  	_ =	shalt  }
0x78: {  	_ =	shalt  }
0x79: {  	_ =	shalt  }
0x7a: {  	_ =	shalt  }
0x7b: {  	_ =	shalt  }
0x7c: {  	_ =	shalt  }
0x7d: {  	_ =	shalt  }
0x7e: {  	_ =	shalt  }
0x7f: {  	_ =	shalt  }
0x80: {  	_ =	shalt  }
0x81: {  	_ =	shalt  }
0x82: {  	_ =	shalt  }
0x83: {  	_ =	shalt  }
0x84: {  	_ =	shalt  }
0x85: {  	_ =	shalt  }
0x86: {  	_ =	shalt  }
0x87: {  	_ =	shalt  }
.Lfunc_end0:
.L_simem_size_0:
called_computation_lowered:
.L_overlay_start_0:
0x88: {  	s2 =	sld [smem:$0x3FD9]  }
0x89: {  	s3 =	sld [smem:$0x3FFE];
	_ =	sdelay $0x1  }
0x8a: {  	s1 =	srdreg.scid  }
0x8b: {  	s0 =	sand.u32 $0x1, s1  }
0x8c: {  	s14 =	sshll.u32 s0, $0xA;
	s2 =	sadd.s32 s3, s2  }
0x8d: {  	s2 =	sadd.s32 s2, s14  }
0x8e: {  	[smem:$0x3FC4] =	sst s2  }
0x8f: {  	_ = 	snop  }
0x90: {  	s2 =	sld [smem:$0x3FD0];
	_ =	sdelay $0x2  }
0x91: {  	s15 =	simm.s32 $0xA;
	s4 =	simm.s32 $0x10  }
0x92: {  	[smem:s4], [sflag:s15] =	dma.local [hbm:s2], $0x1  }
0x93: {  	_ =	swait.eq [sflag:s15], $0x1  }
0x94: {  	[sflag:s15] =	ssyncset.done $0x0  }
0x95: {  	s16 =	sld [smem:$0x10];
	[sflag:s15] =	ssyncadd.s32 $0xFFFFFFFF  }
0x96: {  	s17 =	sld [smem:$0x11];
	(tm) =	ssettm $0x1  }
0x97: {  	s18 =	sld [smem:$0x3FFB];
	_ =	sdelay $0x3  }
0x98: {  	_ =	strace s18  }
0x99: {  	s4 =	sld [smem:$0x3FFC];
	_ =	sdelay $0x3  }
0x9a: {  	_ =	strace s4  }
0x9b: {  	s4 =	sld [smem:$0x3FFD];
	_ =	sdelay $0x3  }
0x9c: {  	_ =	strace s4  }
0x9d: {  	_ =	strace $0x8FFFFFFF  }
0x9e: {  	s19 =	sld [smem:$0x3FDB];
	_ =	sdelay $0x1  }
0x9f: {  	s5 =	simm.s32 $_scs_section_size  }
0xa0: {  	s6 =	simm.s32 $_size__tile_overlayer_lowered;
	s7 =	simm.s32 $_tile_overlayer_lowered  }
0xa1: {  	s22 =	simm.s32 $0x1BFF;
	s21 =	sshll.u32 s7, $0x1;
	s4 =	sadd.s32 s5, s19  }
0xa2: {  	s8 =	simm.s32 $0x0;
	s20 =	sshll.u32 s6, $0x1;
	s6 =	sadd.s32 s21, s4  }
0xa3: {  	[timem:s8], [sflag:s22] =	dma.local [hbm:s6], s20  }
0xa4: {  	_ =	swait.ge [sflag:s22], s20  }
0xa5: {  	s5 =	ssub.s32 $0x0, s20;
	[sflag:s22] =	ssyncset.done $0x0  }
0xa6: {  	[sflag:s22] =	ssyncadd.s32 s5;
	_ =	sdelay $0x1  }
0xa7: {  	s23 =	simm.s32 $0x1B8B  }
0xa8: {  	_ =	swait.ge [sflag:s23], $0x1  }
0xa9: {  	[sflag:s23] =	ssyncset.done $0x0  }
0xaa: {  	s25 =	simm.s32 $0x1B8E;
	s24 =	sld [smem:$0x3FFE];
	[sflag:s23] =	ssyncadd.s32 $0xFFFFFFFF  }
0xab: {  	s26 =	simm.s32 $execute0_lowered;
	[smem:$0x3FD2] =	sst s25  }
0xac: {  	s6 =	sshll.u32 s26, $0x1;
	_ =	strace $0x80000046;
	[dreg:$0x1] =	wrdreg $0xFFFFFFFF  }
0xad: {  	s28 =	simm.s32 $_size_execute0_lowered;
	s4 =	sadd.s32 s4, s6;
	[dreg:$0x0] =	wrdreg $0x0  }
0xae: {  	s6 =	sshll.u32 s28, $0x1;
	[dreg:$0x2] =	wrdreg s4  }
0xaf: {  	[dreg:$0x3] =	wrdreg s6  }
0xb0: {  	[dreg:$0x4] =	wrdreg $0xC0  }
0xb1: {  	_ =	task [dreg:s8], $0x5FFFF  }
0xb2: {  	[dreg:$0x1] =	wrdreg $0xFFFFFFFF  }
0xb3: {  	[dreg:$0x0] =	wrdreg $0x60  }
0xb4: {  	[dreg:$0x2] =	wrdreg s16  }
0xb5: {  	[dreg:$0x3] =	wrdreg s24  }
0xb6: {  	[dreg:$0x4] =	wrdreg s17  }
0xb7: {  	[dreg:$0x5] =	wrdreg $0x9  }
0xb8: {  	_ =	task.clear_ibuf [dreg:s8], $0x6FFFF;
	_ =	strace $0x90000046  }
0xb9: {  	s29 =	simm.s32 $0x9;
	_ =	strace $0x80000048  }
0xba: {  	_ =	swait.ge [sflag:s29], $0x1  }
0xbb: {  	[sflag:s29] =	ssyncadd.s32 $0xFFFFFFFF  }
0xbc: {  	_ =	strace $0x90000048  }
0xbd: {  	_ =	sfence  }
0xbe: {  	s30 =	sld [smem:$0x0];
	_ =	sdelay $0x2  }
0xbf: {  	s31 =	sshll.u32 s1, $0xD;
	s1 =	sshrl.u32 s1, $0x2  }
0xc0: {  	s3 =	sand.u32 $0x4000, s31;
	s1 =	sadd.s32 s1, s30  }
0xc1: {  	s0 =	sor.u32 s3, s0;
	s1 =	sshll.u32 s1, $0x11  }
0xc2: {  	s0 =	sor.u32 s1, s0  }
0xc3: {  	s0 =	sadd.s32 $0x8F2B, s0  }
0xc4: {  	[sflag:s0] =	ssyncadd.remote.s32 $0x1  }
0xc5: {  	_ =	sfence.sel $0xFFFF  }
0xc6: {  	[dreg:$0x0] =	wrdreg $0xFFFFFFFF;
	(pc) =	sbr.abs _section_cstart, $3  }
0xc7: {  	[dreg:$0x1] =	wrdreg $0xFFFFFFFF  }
0xc8: {  	_ =	task.clear_ibuf [dreg:s8], $0x2FFFF;
	_ =	strace $0x9FFFFFFF  }
0xc9: {  	(tm) =	ssettm $0x7FFFFFFF  }
tec
execute0_lowered:
.L_overlay_start_1:
0x0: {  	(tag) =	ssettag $0x1  }
0x1: {  	s0 =	srdreg.scid  }
0x2: {  	s9 =	sand.u32 $0x1, s0;
	s0 =	stileid.u32  }
0x3: {  	s4 =	sor.u32 s0, s9  }
0x4: {  	p0 =	sne.s32 s4, $0x0  }
.Ltmp0:
0x5: {  	_ = 	snop;
	(pc) =	sbr.rel @p0 .LBB2_4-.Ltmp0, $4  }
0x6: {  	s2 =	rddreg [dreg:$0x0]  }
0x7: {  	s8 =	rddreg [dreg:$0x1]  }
0x8: {  	s3 =	rddreg [dreg:$0x2]  }
0x9: {  	s1 =	rddreg [dreg:$0x3];
	_ =	strace $0x80000047  }
0xa: {  	s5 =	simm.s32 $0x0;
	s4 =	simm.s32 $0x1  }
0xb: {  	[tilespmem:s5], [sflag:$0x1] =	stream.linear.gather [hbm4b:s2+s5], $0x80, $0x38;
	[tilespmem:$0x200] =	vst v63  }
0xc: {  	_ =	swait.ge [sflag:s4], $0x80  }
0xd: {  	[sflag:s4] =	ssyncset.done $0x0  }
0xe: {  	[sflag:s4] =	ssyncadd.s32 $0xFFFFFF80  }
0xf: {  	v3 =	vld [tilespmem:$0x0];
	_ =	sdelay $0x3  }
0x10: {  	v0 =	vlaneseq.u32  }
0x11: {  	(xrf1) =	vsort.ascd.msk.f32 $0xffff, v3, v0;
	_ =	sdelay $0xa  }
0x12: {  	v1 =	vimm.s32 $0xF  }
0x13: {  	v2 =	vimm.s32 $0xE;
	_ =	sdelay $0x1  }
0x14: {  	v4, _, _ =	vpop (xrf1)  }
0x15: {  	s6 =	simm.s32 $0x180;
	[tilespmem:$0x180] =	vst v4  }
0x16: {  	v4 =	vld.idx.msk [tilespmem:v1+s6+$0x0], $0xffff  }
0x17: {  	v5 =	vld.idx.msk [tilespmem:v2+s6+$0x0], $0xffff;
	_ =	sdelay $0x3  }
0x18: {  	v6 =	vsub.f32 v3, v4  }
0x19: {  	v7 =	vsub.f32 v5, v4  }
0x1a: {  	v6 =	vmul.f32 $1.442695020e+00, v6  }
0x1b: {  	v7 =	vmul.f32 $1.442695020e+00, v7  }
0x1c: {  	(erf) = vpow2.f32 v6  }
0x1d: {  	(erf) = vpow2.f32 v7;
	_ =	sdelay $0x7  }
0x1e: {  	v6 =	vpop (erf)  }
0x1f: {  	v7 =	vpop (erf)  }
0x20: {  	v7 =	vadd.f32 $1.000000000e+00, v7  }
0x21: {  	vm0 =	veq.f32 v3, v4  }
0x22: {  	v4 =	vmctz.xlane vm0;
	(erf) = vrcp.f32 v7;
	_ =	sdelay $0x1  }
0x23: {  	vm1 =	veq.s32 v4, v0  }
0x24: {  	v3 =	vsel vm1, $0xFF61B1E6, v3  }
0x25: {  	vm0 =	veq.f32 v3, v5  }
0x26: {  	v3 =	vmctz.xlane vm0;
	_ =	sdelay $0x1  }
0x27: {  	vm2 =	veq.s32 v3, v0  }
0x28: {  	vm0 =	vcmask $0x3F08;
	vm2 =	vmor vm1, vm2  }
0x29: {  	s9 =	ssub.s32 $0x2, s9;
	v3 =	vsel vm0, $0x0, v3;
	vm1 =	vmmov $0x1;
	v61 =	vnsel vm2, $0x0, v6;
	v62 =	vpop (erf)  }
0x2a: {  	s10 =	sshrl.u32 s9, $0x1;
	v3 =	vsel vm1, v4, v3;
	v63 =	vmul.f32 v62, v61  }
0x2b: {  	s10 =	ssub.s32 s9, s10;
	[tilespmem:$0x80] =	vst v3  }
0x2c: {  	s7 =	simm.s32 $0x100;
	p0 =	sne.s32 s10, $0x1;
	[tilespmem:$0x100] =	vst v63  }
0x2d: {  	[hbm4b:s3+s5] =	stream.linear.scatter [tilespmem:s7], [sflag:$0x1], $0x80, $0x38;
	[tilespmem:$0x200] =	vst v63  }
.Ltmp1:
0x2e: {  	_ =	swait.ge [sflag:s4], $0x80;
	(pc) =	sbr.rel @!p0 .LBB2_3-.Ltmp1, $4  }
0x2f: {  	[sflag:s4] =	ssyncset.done $0x0  }
0x30: {  	s8 =	sadd.s32 $0x800, s8;
	s9 =	simm.s32 $0x80;
	[sflag:s4] =	ssyncadd.s32 $0xFFFFFF80  }
0x31: {  	[hbm4b:s8+s5] =	stream.linear.scatter [tilespmem:s9], [sflag:$0x1], $0x80, $0x38;
	[tilespmem:$0x200] =	vst v63  }
0x32: {  	s10 =	sadd.s32 $0xFFFFFFFF, s10;
	_ =	swait.ge [sflag:s4], $0x80  }
.LBB2_2:
0x33: {  	p0 =	sne.s32 s10, $0x1;
	s10 =	sadd.s32 $0xFFFFFFFF, s10;
	[sflag:s4] =	ssyncset.done $0x0  }
0x34: {  	[sflag:s4] =	ssyncadd.s32 $0xFFFFFF80  }
0x35: {  	[tilespmem:s5], [sflag:$0x1] =	stream.linear.gather [hbm4b:s2+s5], $0x80, $0x38;
	[tilespmem:$0x200] =	vst v63  }
0x36: {  	_ =	swait.ge [sflag:s4], $0x80  }
0x37: {  	[sflag:s4] =	ssyncset.done $0x0  }
0x38: {  	[sflag:s4] =	ssyncadd.s32 $0xFFFFFF80  }
0x39: {  	v3 =	vld [tilespmem:$0x0];
	_ =	sdelay $0x4  }
0x3a: {  	(xrf1) =	vsort.ascd.msk.f32 $0xffff, v3, v0;
	_ =	sdelay $0xd  }
0x3b: {  	v4, _, _ =	vpop (xrf1)  }
0x3c: {  	[tilespmem:$0x180] =	vst v4  }
0x3d: {  	v4 =	vld.idx.msk [tilespmem:v1+s6+$0x0], $0xffff  }
0x3e: {  	v5 =	vld.idx.msk [tilespmem:v2+s6+$0x0], $0xffff;
	_ =	sdelay $0x4  }
0x3f: {  	vm2 =	veq.f32 v3, v4;
	v6 =	vsub.f32 v3, v4  }
0x40: {  	v7 =	vmctz.xlane vm2;
	v4 =	vsub.f32 v5, v4  }
0x41: {  	v6 =	vmul.f32 $1.442695020e+00, v6  }
0x42: {  	vm2 =	veq.s32 v7, v0;
	v4 =	vmul.f32 $1.442695020e+00, v4  }
0x43: {  	v3 =	vsel vm2, $0xFF61B1E6, v3;
	(erf) = vpow2.f32 v6  }
0x44: {  	vm3 =	veq.f32 v3, v5;
	(erf) = vpow2.f32 v4  }
0x45: {  	v3 =	vmctz.xlane vm3;
	_ =	sdelay $0x1  }
0x46: {  	vm3 =	veq.s32 v3, v0;
	v3 =	vsel vm0, $0x0, v3  }
0x47: {  	vm2 =	vmor vm2, vm3;
	v3 =	vsel vm1, v7, v3  }
0x48: {  	[tilespmem:$0x80] =	vst v3;
	_ =	sdelay $0x2  }
0x49: {  	v3 =	vpop (erf)  }
0x4a: {  	v4 =	vpop (erf)  }
0x4b: {  	v4 =	vadd.f32 $1.000000000e+00, v4;
	_ =	sdelay $0x1  }
0x4c: {  	(erf) = vrcp.f32 v4;
	_ =	sdelay $0x7  }
0x4d: {  	v3 =	vnsel vm2, $0x0, v3  }
0x4e: {  	v4 =	vpop (erf)  }
0x4f: {  	v3 =	vmul.f32 v4, v3;
	_ =	sdelay $0x1  }
0x50: {  	[tilespmem:$0x100] =	vst v3  }
0x51: {  	[hbm4b:s3+s5] =	stream.linear.scatter [tilespmem:s7], [sflag:$0x1], $0x80, $0x38;
	[tilespmem:$0x200] =	vst v63  }
.Ltmp2:
0x52: {  	_ =	swait.ge [sflag:s4], $0x80;
	(pc) =	sbr.rel @p0 .LBB2_2-.Ltmp2, $4  }
0x53: {  	[sflag:s4] =	ssyncset.done $0x0  }
0x54: {  	[sflag:s4] =	ssyncadd.s32 $0xFFFFFF80  }
0x55: {  	[hbm4b:s8+s5] =	stream.linear.scatter [tilespmem:s9], [sflag:$0x1], $0x80, $0x38;
	[tilespmem:$0x200] =	vst v63  }
0x56: {  	_ =	swait.ge [sflag:s4], $0x80  }
.LBB2_3:
0x57: {  	[sflag:s4] =	ssyncset.done $0x0  }
0x58: {  	[sflag:s4] =	ssyncadd.s32 $0xFFFFFF80  }
.LBB2_4:
0x59: {  	_ =	sfence.sel $0x180000  }
0x5a: {  	[bflag:$0x0] =	sbarrier.arrive $0xFFFF  }
0x5b: {  	p0 =	sne.s32 s0, $0x0;
	_ =	strace $0x90000047  }
0x5c: {  	s0 =	sadd.s32 @!p0 $0x100000, s1;
	[bflag:$0x2] =	sbarrier.arrive $0xFFFF  }
0x5d: {  	[sflag:s0] =	ssyncadd.tile.s32 @!p0 $0x1;
	_ =	shalt  }
.Lfunc_end2:
_tile_overlayer_lowered:
.L_overlay_start_2:
0x5e: {  	(tag) =	ssettag $0x2  }
0x5f: {  	s0 =	rddreg [dreg:$0x0];
	s2 =	stileid.u32  }
0x60: {  	s1 =	rddreg [dreg:$0x1];
	p0 =	sne.s32 s2, $0x0  }
0x61: {  	s3 =	rddreg [dreg:$0x2];
	[bflag:$0x3] =	sbarrier.arrive $0xFFFF;
	s2 =	simm.s32 @!p0 $0x1C01  }
0x62: {  	[timem:s3], [sflag:s2] =	dma.local @!p0 [hbm:s0], s1  }
0x63: {  	s0 =	simm.s32 @!p0 $0x1  }
0x64: {  	_ =	swait.ge @!p0 [sflag:s0], s1  }
0x65: {  	s1 =	ssub.s32 @!p0 $0x0, s1;
	[sflag:s0] =	ssyncset.done @!p0 $0x0  }
0x66: {  	[sflag:s0] =	ssyncadd.s32 @!p0 s1  }
0x67: {  	[bflag:$0x3] =	sbarrier.arrive $0xFFFF  }
0x68: {  	_ =	shalt  }

</sc_bundles>
